<compile_context>
chip_gen: v7x
topology: tpu7x:2x2x1
jax: 0.10.2.dev20260603
libtpu: 0.0.44.dev20260713+nightly
codegen_flags: <defaults>
</compile_context>

<pallas_src>
import functools

import jax
import jax.numpy as jnp
from jax import lax
from jax.experimental import pallas as pl
from jax.experimental.pallas import tpu as pltpu
from jax.experimental.pallas import tpu_sc as plsc

_MARGIN = 0.2
_BATCH = 512
_FEAT = 512


def _make_sc_gather(num_classes: int, feat: int, batch: int):
    info = plsc.get_sparse_core_info()
    nc, ns = info.num_cores, info.num_subcores
    nw = nc * ns
    b_per_w = batch // nw
    mesh = plsc.VectorSubcoreMesh(core_axis_name="c", subcore_axis_name="s")

    @functools.partial(
        pl.kernel,
        mesh=mesh,
        out_type=jax.ShapeDtypeStruct((batch, feat), jnp.float32),
        scratch_types=[
            pltpu.VMEM((b_per_w,), jnp.int32),
            pltpu.VMEM((b_per_w, feat), jnp.float32),
            pltpu.SemaphoreType.DMA,
        ],
    )
    def gather_kernel(targets_hbm, centers_hbm, out_hbm, idx_v, rows_v, sem):
        wid = lax.axis_index("s") * nc + lax.axis_index("c")
        base = wid * b_per_w
        pltpu.sync_copy(targets_hbm.at[pl.ds(base, b_per_w)], idx_v)
        pltpu.async_copy(centers_hbm.at[idx_v], rows_v, sem).wait()
        pltpu.sync_copy(rows_v, out_hbm.at[pl.ds(base, b_per_w)])

    return gather_kernel


def _tc_body(x_ref, cb_ref, tcol_ref, trow_ref, loss_ref, prec_ref):
    x = x_ref[...]
    c = cb_ref[...]
    dims = (((1,), (1,)), ((), ()))

    x_hi = x.astype(jnp.bfloat16)
    x_lo = (x - x_hi.astype(jnp.float32)).astype(jnp.bfloat16)
    c_hi = c.astype(jnp.bfloat16)
    c_lo = (c - c_hi.astype(jnp.float32)).astype(jnp.bfloat16)

    def bdot(a, b):
        return lax.dot_general(
            a, b, dims, preferred_element_type=jnp.float32
        )

    g = bdot(x_hi, c_hi) + (bdot(x_hi, c_lo) + bdot(x_lo, c_hi))
    nx = jnp.sum(x * x, axis=1, keepdims=True)
    ones_row = jnp.ones((1, _FEAT), jnp.float32)
    ncb = lax.dot_general(
        ones_row, c * c, dims,
        precision=lax.Precision.HIGHEST,
        preferred_element_type=jnp.float32,
    )
    d2 = nx + ncb - 2.0 * g
    d = jnp.sqrt(jnp.maximum(d2, 1e-12))
    mask = tcol_ref[...] == trow_ref[...]
    neg = jnp.float32(-jnp.inf)
    pos = jnp.float32(jnp.inf)
    dap = jnp.max(jnp.where(mask, d, neg), axis=1)
    dan = jnp.min(jnp.where(mask, pos, d), axis=1)
    loss_ref[0, 0] = jnp.mean(jnp.maximum(dap - dan + _MARGIN, 0.0))
    prec_ref[0, 0] = jnp.sum((dan > dap).astype(jnp.float32)) / jnp.float32(
        dap.shape[0]
    )


def kernel(inputs, targets, centers):
    batch, feat = inputs.shape
    gather = _make_sc_gather(centers.shape[0], feat, batch)
    centers_batch = gather(targets, centers)

    tcol = targets.reshape(batch, 1)
    trow = targets.reshape(1, batch)
    loss, prec = pl.pallas_call(
        _tc_body,
        out_shape=(
            jax.ShapeDtypeStruct((1, 1), jnp.float32),
            jax.ShapeDtypeStruct((1, 1), jnp.float32),
        ),
        out_specs=(
            pl.BlockSpec(memory_space=pltpu.SMEM),
            pl.BlockSpec(memory_space=pltpu.SMEM),
        ),
    )(inputs, centers_batch, tcol, trow)
    return (loss[0, 0], prec[0, 0])

# --- scband reference (transcript-rebuilt; emitter-appended) ---
"""Pipeline reference for scband-triplet-center-loss-31911607009610 (READ-ONLY COPY).

The authoritative reference and input builder live on the scoring server;
editing this copy changes nothing except your own understanding.
"""

import jax, jax.numpy as jnp
import numpy as np

MARGIN = 0.2
NUM_CLASSES = 1000
FEAT = 512
BATCH = 512


def setup_inputs(seed: int = 0) -> dict:
    key = jax.random.key(seed)
    k1, k2, k3 = jax.random.split(key, 3)
    inputs = jax.random.normal(k1, (BATCH, FEAT), dtype=jnp.float32)
    targets = jax.random.randint(k2, (BATCH,), 0, NUM_CLASSES, dtype=jnp.int32)
    centers = jax.random.normal(k3, (NUM_CLASSES, FEAT), dtype=jnp.float32)
    return {"inputs": inputs, "targets": targets, "centers": centers}


def reference(inputs, targets, centers):
    batch_size = inputs.shape[0]
    # centers.gather(0, targets_expand) == centers[targets]
    centers_batch = jnp.take(centers, targets, axis=0)  # [B, 512]
    # dist[i, j] = || centers[targets[j]] - inputs[i] ||
    diff = centers_batch[None, :, :] - inputs[:, None, :]  # [B, B, 512]
    dist = jnp.sum(diff * diff, axis=2)
    dist = jnp.sqrt(jnp.clip(dist, 1e-12, None))  # [B, B]
    mask = targets[:, None] == targets[None, :]
    dist_ap = jnp.max(jnp.where(mask, dist, -jnp.inf), axis=1)
    dist_an = jnp.min(jnp.where(mask, jnp.inf, dist), axis=1)
    # MarginRankingLoss(dist_an, dist_ap, y=1) = mean(max(0, -(dist_an - dist_ap) + margin))
    loss = jnp.mean(jnp.maximum(dist_ap - dist_an + MARGIN, 0.0))
    prec = jnp.sum((dist_an > dist_ap).astype(jnp.float32)) / batch_size
    return (loss, prec)

if __name__ == "__main__":
    import jax
    _d = setup_inputs()
    print(jax.jit(kernel)(*tuple(_d.values())))

</pallas_src>

<mosaic_0001>
#map = affine_map<(d0, d1) -> (0)>
#map1 = affine_map<(d0, d1) -> (0, 0)>
module attributes {stable_mosaic.version = 14 : i64} {
  func.func @gather_kernel(%arg0: i32, %arg1: i32, %arg2: memref<512xi32, #tpu.memory_space<hbm>>, %arg3: memref<1000x512xf32, #tpu.memory_space<hbm>>, %arg4: memref<512x512xf32, #tpu.memory_space<hbm>>, %arg5: memref<16xi32, #tpu.memory_space<vmem>>, %arg6: memref<16x512xf32, #tpu.memory_space<vmem>>, %arg7: memref<!tpu.dma_semaphore, #tpu.memory_space<semaphore_mem>>) attributes {dimension_semantics = [#tpu.dimension_semantics<core_parallel>, #tpu.dimension_semantics<subcore_parallel>], iteration_bounds = array<i64: 2, 16>, scalar_prefetch = 0 : i64, scratch_operands = 3 : i64, tpu.core_type = #tpu.core_type<sc_vector_subcore>, window_params = [{transform_indices = #map}, {transform_indices = #map1}, {transform_indices = #map1}]} {
    %mul3A = arith.constant 2 : i32
    %mul3A_0 = arith.muli %arg1, %mul3A : i32
    %add3A = arith.addi %mul3A_0, %arg0 : i32
    %mul3A_1 = arith.constant 16 : i32
    %mul3A_2 = arith.muli %add3A, %mul3A_1 : i32
    "tpu.region"() ({
      %run_scoped3A = tpu.sem_alloc : memref<!tpu.dma_semaphore, #tpu.memory_space<semaphore_mem>>
      %dma_start3A_7 = tpu.memref_slice %arg2[%mul3A_2] : memref<512xi32, #tpu.memory_space<hbm>> -> memref<16xi32, #tpu.memory_space<hbm>>
      %dma_start3A_8 = tpu.memref_slice %arg2[%mul3A_2] : memref<512xi32, #tpu.memory_space<hbm>> -> memref<16xi32, #tpu.memory_space<hbm>>
      tpu.enqueue_dma source(%dma_start3A_8 : memref<16xi32, #tpu.memory_space<hbm>>) target(%arg5 : memref<16xi32, #tpu.memory_space<vmem>>) target_semaphore(%run_scoped3A : memref<!tpu.dma_semaphore, #tpu.memory_space<semaphore_mem>>)
      %dma_wait3A_9 = tpu.memref_slice %arg2[%mul3A_2] : memref<512xi32, #tpu.memory_space<hbm>> -> memref<16xi32, #tpu.memory_space<hbm>>
      %dma_wait3A_10 = tpu.memref_slice %arg2[%mul3A_2] : memref<512xi32, #tpu.memory_space<hbm>> -> memref<16xi32, #tpu.memory_space<hbm>>
      tpu.wait_dma2 semaphore(%run_scoped3A : memref<!tpu.dma_semaphore, #tpu.memory_space<semaphore_mem>>) src(%dma_wait3A_10 : memref<16xi32, #tpu.memory_space<hbm>>) dst(%arg5 : memref<16xi32, #tpu.memory_space<vmem>>)
      tpu.yield
    }) : () -> ()
    %dma_start3A = arith.constant 0 : i32
    %dma_start3A_3 = arith.constant 0 : i32
    %dma_start3A_4 = tpu.memref_slice %arg3[%dma_start3A, %dma_start3A_3] : memref<1000x512xf32, #tpu.memory_space<hbm>> -> memref<1000x512xf32, #tpu.memory_space<hbm>>
    tpu.enqueue_indirect_dma source(%dma_start3A_4 : memref<1000x512xf32, #tpu.memory_space<hbm>>) target(%arg6 : memref<16x512xf32, #tpu.memory_space<vmem>>) offsets(%arg5 : memref<16xi32, #tpu.memory_space<vmem>>) semaphore(%arg7 : memref<!tpu.dma_semaphore, #tpu.memory_space<semaphore_mem>>)
    %dma_wait3A = arith.constant 0 : i32
    %dma_wait3A_5 = arith.constant 0 : i32
    %dma_wait3A_6 = tpu.memref_slice %arg3[%dma_wait3A, %dma_wait3A_5] : memref<1000x512xf32, #tpu.memory_space<hbm>> -> memref<1000x512xf32, #tpu.memory_space<hbm>>
    tpu.wait_indirect_dma semaphore(%arg7 : memref<!tpu.dma_semaphore, #tpu.memory_space<semaphore_mem>>) src(%dma_wait3A_6 : memref<1000x512xf32, #tpu.memory_space<hbm>>) dst(%arg6 : memref<16x512xf32, #tpu.memory_space<vmem>>)
    "tpu.region"() ({
      %run_scoped3A = tpu.sem_alloc : memref<!tpu.dma_semaphore, #tpu.memory_space<semaphore_mem>>
      %dma_start3A_7 = arith.constant 0 : i32
      %dma_start3A_8 = tpu.memref_slice %arg4[%mul3A_2, %dma_start3A_7] : memref<512x512xf32, #tpu.memory_space<hbm>> -> memref<16x512xf32, #tpu.memory_space<hbm>>
      %dma_start3A_9 = arith.constant 0 : i32
      %dma_start3A_10 = tpu.memref_slice %arg4[%mul3A_2, %dma_start3A_9] : memref<512x512xf32, #tpu.memory_space<hbm>> -> memref<16x512xf32, #tpu.memory_space<hbm>>
      tpu.enqueue_dma source(%arg6 : memref<16x512xf32, #tpu.memory_space<vmem>>) target(%dma_start3A_10 : memref<16x512xf32, #tpu.memory_space<hbm>>) target_semaphore(%run_scoped3A : memref<!tpu.dma_semaphore, #tpu.memory_space<semaphore_mem>>)
      %dma_wait3A_11 = arith.constant 0 : i32
      %dma_wait3A_12 = tpu.memref_slice %arg4[%mul3A_2, %dma_wait3A_11] : memref<512x512xf32, #tpu.memory_space<hbm>> -> memref<16x512xf32, #tpu.memory_space<hbm>>
      %dma_wait3A_13 = arith.constant 0 : i32
      %dma_wait3A_14 = tpu.memref_slice %arg4[%mul3A_2, %dma_wait3A_13] : memref<512x512xf32, #tpu.memory_space<hbm>> -> memref<16x512xf32, #tpu.memory_space<hbm>>
      tpu.wait_dma2 semaphore(%run_scoped3A : memref<!tpu.dma_semaphore, #tpu.memory_space<semaphore_mem>>) src(%arg6 : memref<16x512xf32, #tpu.memory_space<vmem>>) dst(%dma_wait3A_14 : memref<16x512xf32, #tpu.memory_space<hbm>>)
      tpu.yield
    }) : () -> ()
    return
  }
}

module attributes {stable_mosaic.version = 14 : i64} {
  func.func @_tc_body(%arg0: memref<512x512xf32, #tpu.memory_space<vmem>>, %arg1: memref<512x512xf32, #tpu.memory_space<vmem>>, %arg2: memref<512x1xi32, #tpu.memory_space<vmem>>, %arg3: memref<1x512xi32, #tpu.memory_space<vmem>>, %arg4: memref<1x1xf32, #tpu.memory_space<smem>>, %arg5: memref<1x1xf32, #tpu.memory_space<smem>>) attributes {dimension_semantics = [], scalar_prefetch = 0 : i64, scratch_operands = 0 : i64, tpu.core_type = #tpu.core_type<tc>} {
    %get3A = arith.constant 0 : index
    %get3A_0 = arith.constant 0 : index
    %get3A_1 = vector.load %arg0[%get3A, %get3A_0] : memref<512x512xf32, #tpu.memory_space<vmem>>, vector<512x512xf32>
    %get3A_2 = arith.constant 0 : index
    %get3A_3 = arith.constant 0 : index
    %get3A_4 = vector.load %arg1[%get3A_2, %get3A_3] : memref<512x512xf32, #tpu.memory_space<vmem>>, vector<512x512xf32>
    %convert_element_type3A = arith.truncf %get3A_1 : vector<512x512xf32> to vector<512x512xbf16>
    %convert_element_type3A_5 = arith.extf %convert_element_type3A : vector<512x512xbf16> to vector<512x512xf32>
    %sub3A = arith.subf %get3A_1, %convert_element_type3A_5 : vector<512x512xf32>
    %convert_element_type3A_6 = arith.truncf %sub3A : vector<512x512xf32> to vector<512x512xbf16>
    %convert_element_type3A_7 = arith.truncf %get3A_4 : vector<512x512xf32> to vector<512x512xbf16>
    %convert_element_type3A_8 = arith.extf %convert_element_type3A_7 : vector<512x512xbf16> to vector<512x512xf32>
    %sub3A_9 = arith.subf %get3A_4, %convert_element_type3A_8 : vector<512x512xf32>
    %convert_element_type3A_10 = arith.truncf %sub3A_9 : vector<512x512xf32> to vector<512x512xbf16>
    %dot_general3A = arith.constant dense<0.000000e+00> : vector<512x512xf32>
    %dot_general3A_11 = tpu.matmul %convert_element_type3A, %convert_element_type3A_7, %dot_general3A {dimension_numbers = #tpu.dot_dimension_numbers<[1], [1], [0], [0], [0, 0, 1, 0], [], []>, transpose_lhs_hint = false} : vector<512x512xbf16>, vector<512x512xbf16>, vector<512x512xf32> -> vector<512x512xf32>
    %dot_general3A_12 = arith.constant dense<0.000000e+00> : vector<512x512xf32>
    %dot_general3A_13 = tpu.matmul %convert_element_type3A, %convert_element_type3A_10, %dot_general3A_12 {dimension_numbers = #tpu.dot_dimension_numbers<[1], [1], [0], [0], [0, 0, 1, 0], [], []>, transpose_lhs_hint = false} : vector<512x512xbf16>, vector<512x512xbf16>, vector<512x512xf32> -> vector<512x512xf32>
    %dot_general3A_14 = arith.constant dense<0.000000e+00> : vector<512x512xf32>
    %dot_general3A_15 = tpu.matmul %convert_element_type3A_6, %convert_element_type3A_7, %dot_general3A_14 {dimension_numbers = #tpu.dot_dimension_numbers<[1], [1], [0], [0], [0, 0, 1, 0], [], []>, transpose_lhs_hint = false} : vector<512x512xbf16>, vector<512x512xbf16>, vector<512x512xf32> -> vector<512x512xf32>
    %add3A = arith.addf %dot_general3A_13, %dot_general3A_15 : vector<512x512xf32>
    %add3A_16 = arith.addf %dot_general3A_11, %add3A : vector<512x512xf32>
    %mul3A = arith.mulf %get3A_1, %get3A_1 : vector<512x512xf32>
    %reduce_sum3A = arith.constant dense<0.000000e+00> : vector<512xf32>
    %reduce_sum3A_17 = vector.multi_reduction <add>, %mul3A, %reduce_sum3A [1] : vector<512x512xf32> to vector<512xf32>
    %broadcast_in_dim3A = vector.shape_cast %reduce_sum3A_17 : vector<512xf32> to vector<512x1xf32>
    %broadcast_in_dim3A_18 = arith.constant 1.000000e+00 : f32
    %broadcast_in_dim3A_19 = vector.broadcast %broadcast_in_dim3A_18 : f32 to vector<1x512xf32>
    %mul3A_20 = arith.mulf %get3A_4, %get3A_4 : vector<512x512xf32>
    %dot_general3A_21 = arith.constant dense<0.000000e+00> : vector<1x512xf32>
    %dot_general3A_22 = tpu.matmul %broadcast_in_dim3A_19, %mul3A_20, %dot_general3A_21 {dimension_numbers = #tpu.dot_dimension_numbers<[1], [1], [0], [0], [0, 0, 1, 0], [], []>, precision = #tpu.contract_precision<fp32>, transpose_lhs_hint = false} : vector<1x512xf32>, vector<512x512xf32>, vector<1x512xf32> -> vector<1x512xf32>
    %add3A_23 = vector.broadcast %broadcast_in_dim3A : vector<512x1xf32> to vector<512x512xf32>
    %add3A_24 = vector.broadcast %dot_general3A_22 : vector<1x512xf32> to vector<512x512xf32>
    %add3A_25 = arith.addf %add3A_23, %add3A_24 : vector<512x512xf32>
    %mul3A_26 = arith.constant 2.000000e+00 : f32
    %mul3A_27 = vector.broadcast %mul3A_26 : f32 to vector<512x512xf32>
    %mul3A_28 = arith.mulf %mul3A_27, %add3A_16 : vector<512x512xf32>
    %sub3A_29 = arith.subf %add3A_25, %mul3A_28 : vector<512x512xf32>
    %max3A = arith.constant 9.99999996E-13 : f32
    %max3A_30 = vector.broadcast %max3A : f32 to vector<512x512xf32>
    %max3A_31 = arith.maximumf %sub3A_29, %max3A_30 : vector<512x512xf32>
    %sqrt3A = math.sqrt %max3A_31 : vector<512x512xf32>
    %get3A_32 = arith.constant 0 : index
    %get3A_33 = arith.constant 0 : index
    %get3A_34 = vector.load %arg2[%get3A_32, %get3A_33] : memref<512x1xi32, #tpu.memory_space<vmem>>, vector<512x1xi32>
    %get3A_35 = arith.constant 0 : index
    %get3A_36 = arith.constant 0 : index
    %get3A_37 = vector.load %arg3[%get3A_35, %get3A_36] : memref<1x512xi32, #tpu.memory_space<vmem>>, vector<1x512xi32>
    %eq3A = vector.broadcast %get3A_34 : vector<512x1xi32> to vector<512x512xi32>
    %eq3A_38 = vector.broadcast %get3A_37 : vector<1x512xi32> to vector<512x512xi32>
    %eq3A_39 = arith.cmpi eq, %eq3A, %eq3A_38 : vector<512x512xi32>
    %jit3A = arith.constant 0xFF800000 : f32
    %broadcast_in_dim3A_40 = vector.broadcast %jit3A : f32 to vector<512x512xf32>
    %select_n3A = arith.select %eq3A_39, %sqrt3A, %broadcast_in_dim3A_40 : vector<512x512xi1>, vector<512x512xf32>
    %reduce_max3A = arith.constant dense<0xFF800000> : vector<512xf32>
    %reduce_max3A_41 = vector.multi_reduction <maximumf>, %select_n3A, %reduce_max3A [1] : vector<512x512xf32> to vector<512xf32>
    %jit3A_42 = arith.constant 0x7F800000 : f32
    %broadcast_in_dim3A_43 = vector.broadcast %jit3A_42 : f32 to vector<512x512xf32>
    %select_n3A_44 = arith.select %eq3A_39, %broadcast_in_dim3A_43, %sqrt3A : vector<512x512xi1>, vector<512x512xf32>
    %reduce_min3A = arith.constant dense<0x7F800000> : vector<512xf32>
    %reduce_min3A_45 = vector.multi_reduction <minimumf>, %select_n3A_44, %reduce_min3A [1] : vector<512x512xf32> to vector<512xf32>
    %sub3A_46 = arith.subf %reduce_max3A_41, %reduce_min3A_45 : vector<512xf32>
    %add3A_47 = arith.constant 2.000000e-01 : f32
    %add3A_48 = vector.broadcast %add3A_47 : f32 to vector<512xf32>
    %add3A_49 = arith.addf %sub3A_46, %add3A_48 : vector<512xf32>
    %max3A_50 = arith.constant 0.000000e+00 : f32
    %max3A_51 = vector.broadcast %max3A_50 : f32 to vector<512xf32>
    %max3A_52 = arith.maximumf %add3A_49, %max3A_51 : vector<512xf32>
    %reduce_sum3A_53 = vector.shape_cast %max3A_52 : vector<512xf32> to vector<1x512xf32>
    %reduce_sum3A_54 = arith.constant dense<0.000000e+00> : vector<1xf32>
    %reduce_sum3A_55 = vector.multi_reduction <add>, %reduce_sum3A_53, %reduce_sum3A_54 [1] : vector<1x512xf32> to vector<1xf32>
    %reduce_sum3A_56 = vector.shape_cast %reduce_sum3A_55 : vector<1xf32> to vector<1x1xf32>
    %reduce_sum3A_57 = vector.extract %reduce_sum3A_56[0, 0] : f32 from vector<1x1xf32>
    %div3A = arith.constant 5.120000e+02 : f32
    %div3A_58 = arith.divf %reduce_sum3A_57, %div3A : f32
    %swap3A = arith.constant 0 : index
    %swap3A_59 = arith.constant 0 : index
    %swap3A_60 = memref.load %arg4[%swap3A, %swap3A_59] : memref<1x1xf32, #tpu.memory_space<smem>>
    memref.store %div3A_58, %arg4[%swap3A, %swap3A_59] : memref<1x1xf32, #tpu.memory_space<smem>>
    %gt3A = arith.cmpf ogt, %reduce_min3A_45, %reduce_max3A_41 : vector<512xf32>
    %convert_element_type3A_61 = arith.extui %gt3A : vector<512xi1> to vector<512xi32>
    %convert_element_type3A_62 = arith.sitofp %convert_element_type3A_61 : vector<512xi32> to vector<512xf32>
    %reduce_sum3A_63 = vector.shape_cast %convert_element_type3A_62 : vector<512xf32> to vector<1x512xf32>
    %reduce_sum3A_64 = arith.constant dense<0.000000e+00> : vector<1xf32>
    %reduce_sum3A_65 = vector.multi_reduction <add>, %reduce_sum3A_63, %reduce_sum3A_64 [1] : vector<1x512xf32> to vector<1xf32>
    %reduce_sum3A_66 = vector.shape_cast %reduce_sum3A_65 : vector<1xf32> to vector<1x1xf32>
    %reduce_sum3A_67 = vector.extract %reduce_sum3A_66[0, 0] : f32 from vector<1x1xf32>
    %div3A_68 = arith.constant 5.120000e+02 : f32
    %div3A_69 = arith.divf %reduce_sum3A_67, %div3A_68 : f32
    %swap3A_70 = arith.constant 0 : index
    %swap3A_71 = arith.constant 0 : index
    %swap3A_72 = memref.load %arg5[%swap3A_70, %swap3A_71] : memref<1x1xf32, #tpu.memory_space<smem>>
    memref.store %div3A_69, %arg5[%swap3A_70, %swap3A_71] : memref<1x1xf32, #tpu.memory_space<smem>>
    return
  }
}

</mosaic_0001>

<sc_bundles>
// kernel: kernel.4.cloned.1.call-start
scs
__scs_entry_jumppad:
0x0: {  	(pc) =	sbr.rel $0x88, $3  }
0x1: {  	(tag) =	ssettag $0x0;
	lr =	simm.s32 $0x1  }
0x2: {  	[smem:$0x3F9E] =	sst lr;
	_ =	strace $0xD0000000  }
0x3: {  	_ = 	snop  }
0x4: {  	_ = 	snop  }
0x5: {  	_ = 	snop  }
0x6: {  	_ = 	snop  }
0x7: {  	_ = 	snop  }
__scs_overlays_trampoline_lowered:
0x8: {  	[smem:$0x3FAD] =	sst s0  }
0x9: {  	[smem:$0x3FAE] =	sst s1  }
0xa: {  	[smem:$0x3FAF] =	sst s2  }
0xb: {  	[smem:$0x3FB0] =	sst s3  }
0xc: {  	[smem:$0x3FB1] =	sst s4  }
0xd: {  	[smem:$0x3FB2] =	sst s5  }
0xe: {  	[smem:$0x3FB3] =	sst s6  }
0xf: {  	[smem:$0x3FB4] =	sst s7  }
0x10: {  	[smem:$0x3FB5] =	sst s8  }
0x11: {  	[smem:$0x3FB6] =	sst s9;
	s0 =	simm.s32 @!p0 $0x0  }
0x12: {  	s1 =	sld [smem:$0x3F9C];
	s0 =	simm.s32 @p0 $0x1  }
0x13: {  	[smem:$0x3FB7] =	sst s0;
	s0 =	simm.s32 @!p1 $0x0  }
0x14: {  	s2 =	sld [smem:$0x3F9B];
	s0 =	simm.s32 @p1 $0x1  }
0x15: {  	[smem:$0x3FB8] =	sst s0;
	s0 =	simm.s32 @!p2 $0x0  }
0x16: {  	s3 =	sld [smem:$0x3FDB];
	s0 =	simm.s32 @p2 $0x1  }
0x17: {  	s4 =	simm.s32 $0x1BF5;
	[smem:$0x3FBA] =	sst s0  }
0x18: {  	s0 =	sld [smem:$0x3F9D];
	_ =	swait.ge [sflag:s4], $0x0  }
0x19: {  	s7 =	sld [smem:$0x3F9E]  }
0x1a: {  	s8 =	sadd.s32 $0xFFFFE003, lr  }
0x1b: {  	s9 =	sadd.s32 $0xFFFFFEF7, lr;
	s5 =	simm.s32 $0xFFFFFFFF;
	p2 =	slt.u32 s8, $0xFFFFF086  }
0x1c: {  	p1 =	slt.u32 s9, $0xF7A;
	s5 =	simm.s32 @!p2 $0x0  }
0x1d: {  	s5 =	simm.s32 @p1 $0x1;
	p0 =	seq.s32 s7, s2  }
0x1e: {  	s7 =	smul.u32 @!p0 $0xF7A, s2;
	p2 =	seq.s32 @!p0 s5, $0x0  }
0x1f: {  	s9 =	smul.u32 $0xF7A, s1;
	s8 =	simm.s32 @!p0 $0x1BF5;
	p2 =	por !p2, p0  }
0x20: {  	[sflag:s8] =	ssyncset.s32 @!p0 $0xFFFFF086;
	s6 =	sadd.s32 @!p0 s3, s7;
	s7 =	simm.s32 @!p0 $0x108  }
0x21: {  	s3 =	sadd.s32 s3, s9;
	s6 =	sadd.s32 @!p0 $0x88, s6;
	s7 =	simm.s32 @p2 $0x1082  }
0x22: {  	[simem:s7], [sflag:s8] =	dma.local @!p0 [hbm:s6], $0xF7A  }
0x23: {  	s9 =	sor.u32 $0xD0000000, s2;
	s6 =	simm.s32 $0x108;
	_ =	swait.ge @!p0 [sflag:s8], $0x0  }
0x24: {  	s3 =	sadd.s32 $0x88, s3;
	s6 =	simm.s32 @!p1 $0x1082;
	[sflag:s4] =	ssyncset.s32 $0xFFFFF086  }
0x25: {  	[simem:s6], [sflag:s4] =	dma.local [hbm:s3], $0xF7A  }
0x26: {  	[smem:$0x3F9E] =	sst s1;
	(tag) =	ssettag s2;
	_ =	strace s9  }
0x27: {  	s1 =	sld [smem:$0x3FAE]  }
0x28: {  	s2 =	sld [smem:$0x3FAF]  }
0x29: {  	s4 =	sld [smem:$0x3FB1]  }
0x2a: {  	p0 =	seq.s32 s5, $0x0;
	s5 =	sld [smem:$0x3FB2]  }
0x2b: {  	s6 =	sld [smem:$0x3FB3]  }
0x2c: {  	s7 =	sld [smem:$0x3FB4]  }
0x2d: {  	s3 =	simm.s32 $0x108;
	s8 =	sld [smem:$0x3FB5]  }
0x2e: {  	s3 =	simm.s32 @!p0 $0x1082;
	s9 =	sld [smem:$0x3FB6]  }
0x2f: {  	lr =	sadd.s32 s0, s3;
	s0 =	sld [smem:$0x3FAD]  }
0x30: {  	s3 =	sld [smem:$0x3FB0]  }
0x31: {  	[smem:$0x3FB9] =	sst s10  }
0x32: {  	s10 =	sld [smem:$0x3FB7];
	_ =	sdelay $0x3  }
0x33: {  	p0 =	seq.s32 s10, $0x1;
	s10 =	sld [smem:$0x3FB9];
	_ =	sdelay $0x3  }
0x34: {  	[smem:$0x3FB9] =	sst s10  }
0x35: {  	s10 =	sld [smem:$0x3FB8];
	_ =	sdelay $0x3  }
0x36: {  	p1 =	seq.s32 s10, $0x1;
	s10 =	sld [smem:$0x3FB9];
	_ =	sdelay $0x3  }
0x37: {  	[smem:$0x3FB9] =	sst s10  }
0x38: {  	s10 =	sld [smem:$0x3FBA]  }
0x39: {  	_ = 	snop;
	(pc) =	sbr.ind lr, $3  }
0x3a: {  	_ = 	snop  }
0x3b: {  	_ = 	snop  }
0x3c: {  	p2 =	seq.s32 s10, $0x1;
	s10 =	sld [smem:$0x3FB9]  }
0x3d: {  	_ =	shalt  }
0x3e: {  	_ =	shalt  }
0x3f: {  	_ =	shalt  }
0x40: {  	_ =	shalt  }
0x41: {  	_ =	shalt  }
0x42: {  	_ =	shalt  }
0x43: {  	_ =	shalt  }
0x44: {  	_ =	shalt  }
0x45: {  	_ =	shalt  }
0x46: {  	_ =	shalt  }
0x47: {  	_ =	shalt  }
0x48: {  	_ =	shalt  }
0x49: {  	_ =	shalt  }
0x4a: {  	_ =	shalt  }
0x4b: {  	_ =	shalt  }
0x4c: {  	_ =	shalt  }
0x4d: {  	_ =	shalt  }
0x4e: {  	_ =	shalt  }
0x4f: {  	_ =	shalt  }
0x50: {  	_ =	shalt  }
0x51: {  	_ =	shalt  }
0x52: {  	_ =	shalt  }
0x53: {  	_ =	shalt  }
0x54: {  	_ =	shalt  }
0x55: {  	_ =	shalt  }
0x56: {  	_ =	shalt  }
0x57: {  	_ =	shalt  }
0x58: {  	_ =	shalt  }
0x59: {  	_ =	shalt  }
0x5a: {  	_ =	shalt  }
0x5b: {  	_ =	shalt  }
0x5c: {  	_ =	shalt  }
0x5d: {  	_ =	shalt  }
0x5e: {  	_ =	shalt  }
0x5f: {  	_ =	shalt  }
0x60: {  	_ =	shalt  }
0x61: {  	_ =	shalt  }
0x62: {  	_ =	shalt  }
0x63: {  	_ =	shalt  }
0x64: {  	_ =	shalt  }
0x65: {  	_ =	shalt  }
0x66: {  	_ =	shalt  }
0x67: {  	_ =	shalt  }
0x68: {  	_ =	shalt  }
0x69: {  	_ =	shalt  }
0x6a: {  	_ =	shalt  }
0x6b: {  	_ =	shalt  }
0x6c: {  	_ =	shalt  }
0x6d: {  	_ =	shalt  }
0x6e: {  	_ =	shalt  }
0x6f: {  	_ =	shalt  }
0x70: {  	_ =	shalt  }
0x71: {  	_ =	shalt  }
0x72: {  	_ =	shalt  }
0x73: {  	_ =	shalt  }
0x74: {  	_ =	shalt  }
0x75: {  	_ =	shalt  }
0x76: {  	_ =	shalt  }
0x77: {  	_ =	shalt  }
0x78: {  	_ =	shalt  }
0x79: {  	_ =	shalt  }
0x7a: {  	_ =	shalt  }
0x7b: {  	_ =	shalt  }
0x7c: {  	_ =	shalt  }
0x7d: {  	_ =	shalt  }
0x7e: {  	_ =	shalt  }
0x7f: {  	_ =	shalt  }
0x80: {  	_ =	shalt  }
0x81: {  	_ =	shalt  }
0x82: {  	_ =	shalt  }
0x83: {  	_ =	shalt  }
0x84: {  	_ =	shalt  }
0x85: {  	_ =	shalt  }
0x86: {  	_ =	shalt  }
0x87: {  	_ =	shalt  }
.Lfunc_end0:
.L_simem_size_0:
called_computation_lowered:
.L_overlay_start_0:
0x88: {  	s2 =	sld [smem:$0x3FD9]  }
0x89: {  	s3 =	sld [smem:$0x3FFE];
	_ =	sdelay $0x1  }
0x8a: {  	s1 =	srdreg.scid  }
0x8b: {  	s0 =	sand.u32 $0x1, s1  }
0x8c: {  	s17 =	sshll.u32 s0, $0xA;
	s2 =	sadd.s32 s3, s2  }
0x8d: {  	s2 =	sadd.s32 s2, s17  }
0x8e: {  	[smem:$0x3FC5] =	sst s2  }
0x8f: {  	_ = 	snop  }
0x90: {  	s2 =	sld [smem:$0x3FC8]  }
0x91: {  	s18 =	sld [smem:$0x3FC7];
	(tm) =	ssettm $0x1  }
0x92: {  	s4 =	sld [smem:$0x3FFB];
	_ =	sdelay $0x3  }
0x93: {  	_ =	strace s4  }
0x94: {  	s4 =	sld [smem:$0x3FFC];
	_ =	sdelay $0x3  }
0x95: {  	_ =	strace s4  }
0x96: {  	s4 =	sld [smem:$0x3FFD];
	_ =	sdelay $0x3  }
0x97: {  	_ =	strace s4  }
0x98: {  	_ =	strace $0x8FFFFFFF  }
0x99: {  	s19 =	sld [smem:$0x3FDB];
	_ =	sdelay $0x1  }
0x9a: {  	s5 =	simm.s32 $_scs_section_size  }
0x9b: {  	s6 =	simm.s32 $_size__tile_overlayer_lowered;
	s7 =	simm.s32 $_tile_overlayer_lowered  }
0x9c: {  	s22 =	simm.s32 $0x1BFF;
	s21 =	sshll.u32 s7, $0x1;
	s4 =	sadd.s32 s5, s19  }
0x9d: {  	s8 =	simm.s32 $0x0;
	s20 =	sshll.u32 s6, $0x1;
	s6 =	sadd.s32 s21, s4  }
0x9e: {  	[timem:s8], [sflag:s22] =	dma.local [hbm:s6], s20  }
0x9f: {  	_ =	swait.ge [sflag:s22], s20  }
0xa0: {  	s5 =	ssub.s32 $0x0, s20;
	[sflag:s22] =	ssyncset.done $0x0  }
0xa1: {  	[sflag:s22] =	ssyncadd.s32 s5;
	_ =	sdelay $0x1  }
0xa2: {  	s23 =	simm.s32 $0x1B8B  }
0xa3: {  	_ =	swait.ge [sflag:s23], $0x1  }
0xa4: {  	[sflag:s23] =	ssyncset.done $0x0  }
0xa5: {  	s25 =	simm.s32 $0x1B8E;
	s24 =	sld [smem:$0x3FFE];
	[sflag:s23] =	ssyncadd.s32 $0xFFFFFFFF  }
0xa6: {  	s26 =	simm.s32 $execute0_lowered;
	[smem:$0x3FD2] =	sst s25  }
0xa7: {  	s6 =	sshll.u32 s26, $0x1;
	_ =	strace $0x80000046;
	[dreg:$0x1] =	wrdreg $0xFFFFFFFF  }
0xa8: {  	s28 =	simm.s32 $_size_execute0_lowered;
	s4 =	sadd.s32 s4, s6;
	[dreg:$0x0] =	wrdreg $0x0  }
0xa9: {  	s6 =	sshll.u32 s28, $0x1;
	[dreg:$0x2] =	wrdreg s4  }
0xaa: {  	[dreg:$0x3] =	wrdreg s6  }
0xab: {  	[dreg:$0x4] =	wrdreg $0xC0  }
0xac: {  	_ =	task [dreg:s8], $0x5FFFF  }
0xad: {  	[dreg:$0x1] =	wrdreg $0xFFFFFFFF  }
0xae: {  	[dreg:$0x0] =	wrdreg $0x60  }
0xaf: {  	[dreg:$0x2] =	wrdreg s2  }
0xb0: {  	[dreg:$0x3] =	wrdreg s18  }
0xb1: {  	[dreg:$0x4] =	wrdreg s24  }
0xb2: {  	[dreg:$0x5] =	wrdreg $0x9  }
0xb3: {  	_ =	task.clear_ibuf [dreg:s8], $0x6FFFF;
	_ =	strace $0x90000046  }
0xb4: {  	s29 =	simm.s32 $0x9;
	_ =	strace $0x80000048  }
0xb5: {  	_ =	swait.ge [sflag:s29], $0x1  }
0xb6: {  	[sflag:s29] =	ssyncadd.s32 $0xFFFFFFFF  }
0xb7: {  	_ =	strace $0x90000048  }
0xb8: {  	_ =	sfence  }
0xb9: {  	s30 =	sld [smem:$0x0];
	_ =	sdelay $0x2  }
0xba: {  	s31 =	sshll.u32 s1, $0xD;
	s1 =	sshrl.u32 s1, $0x2  }
0xbb: {  	s3 =	sand.u32 $0x4000, s31;
	s1 =	sadd.s32 s1, s30  }
0xbc: {  	s0 =	sor.u32 s3, s0;
	s1 =	sshll.u32 s1, $0x11  }
0xbd: {  	s0 =	sor.u32 s1, s0  }
0xbe: {  	s0 =	sadd.s32 $0x8F2B, s0  }
0xbf: {  	[sflag:s0] =	ssyncadd.remote.s32 $0x1  }
0xc0: {  	_ =	sfence.sel $0xFFFF  }
0xc1: {  	[dreg:$0x0] =	wrdreg $0xFFFFFFFF;
	(pc) =	sbr.abs _section_cstart, $3  }
0xc2: {  	[dreg:$0x1] =	wrdreg $0xFFFFFFFF  }
0xc3: {  	_ =	task.clear_ibuf [dreg:s8], $0x2FFFF;
	_ =	strace $0x9FFFFFFF  }
0xc4: {  	(tm) =	ssettm $0x7FFFFFFF  }
0xc5: {  	_ =	shalt  }
tec
execute0_lowered:
.L_overlay_start_1:
0x0: {  	(tag) =	ssettag $0x1  }
0x1: {  	s4 =	rddreg [dreg:$0x0];
	s1 =	srdreg.scid  }
0x2: {  	s2 =	rddreg [dreg:$0x1];
	s0 =	stileid.u32;
	s10 =	sand.u32 $0x1, s1  }
0x3: {  	s12 =	rddreg [dreg:$0x2];
	s5 =	sshll.u32 s0, $0x5;
	s6 =	sshll.u32 s10, $0x4  }
0x4: {  	s3 =	simm.s32 $0x0;
	s1 =	rddreg [dreg:$0x3];
	s13 =	sor.u32 s6, s5  }
0x5: {  	[smem:$0x7FF] =	sst s3;
	s5 =	sshrl.u32 s13, $0x3  }
0x6: {  	_ =	strace $0x80000047;
	s5 =	sadd.s32 s4, s5;
	s4 =	simm.s32 $0x2  }
0x7: {  	[tilespmem:s3], [sflag:$0x2] =	stream.linear.gather [hbm4b:s5+s3], $0x10, $0x38;
	[tilespmem:$0x2080] =	vst v63  }
0x8: {  	_ =	swait.ge [sflag:s4], $0x10  }
0x9: {  	[sflag:s4] =	ssyncset.done $0x0  }
0xa: {  	[sflag:s4] =	ssyncadd.s32 $0xFFFFFFF0  }
0xb: {  	v0 =	vld [tilespmem:$0x0];
	_ =	sdelay $0x4  }
0xc: {  	v1 =	vshll.u32 v0, $0x2  }
0xd: {  	v2 =	vlaneseq.u32;
	v3 =	vand.u32 $0x7, v0;
	v1 =	vand.u32 $0xFFFFFFE0, v1  }
0xe: {  	v4 =	vshrl.u32 v2, $0x3;
	v0 =	vand.u32 $0x7, v2;
	v3 =	vor.u32 v3, v1  }
0xf: {  	v1 =	vmul.u32 $0x8, v4;
	v63 =	vperm.xlane v3, v0;
	_ =	sdelay $0x1  }
0x10: {  	v4 =	vadd.s32 v1, v63  }
0x11: {  	v2 =	vor.u32 $0x8, v2  }
0x12: {  	v3 =	vperm.xlane v3, v2;
	_ =	sdelay $0x1  }
0x13: {  	vm0 =	vmmov $0xffff;
	s8 =	simm.s32 $0x880;
	s14 =	ssub.s32 $0x2, s10;
	s6 =	simm.s32 $0x80;
	v3 =	vadd.s32 v1, v3  }
0x14: {  	[tilespmem:s6], [sflag:$0x1] =	stream.indirect_vreg.gather [hbm4b:s2+s3], $0x80, v4, vm0, $0xb8;
	[tilespmem:$0x2080] =	vst v63  }
0x15: {  	s9 =	simm.s32 $0x1080;
	s7 =	sadd.s32 $0x100, s2;
	s15 =	sshrl.u32 s14, $0x1  }
0x16: {  	[tilespmem:s8], [sflag:$0x1] =	stream.indirect_vreg.gather [hbm4b:s7+s3], $0x80, v4, vm0, $0xb8;
	[tilespmem:$0x2080] =	vst v63  }
0x17: {  	s11 =	simm.s32 $0x1;
	s13 =	sshll.u32 s13, $0x6;
	s31 =	ssub.s32 s14, s15  }
0x18: {  	[tilespmem:s9], [sflag:$0x1] =	stream.indirect_vreg.gather [hbm4b:s2+s3], $0x80, v3, vm0, $0xb8;
	[tilespmem:$0x2080] =	vst v63  }
0x19: {  	s10 =	simm.s32 $0x1880;
	s12 =	sadd.s32 s13, s12;
	s13 =	smax.u32 s31, $0x1  }
0x1a: {  	[tilespmem:s10], [sflag:$0x1] =	stream.indirect_vreg.gather [hbm4b:s7+s3], $0x80, v3, vm0, $0xb8;
	[tilespmem:$0x2080] =	vst v63  }
0x1b: {  	p0 =	sne.s32 s13, $0x1;
	_ =	swait.ge [sflag:s11], $0x2000  }
.Ltmp0:
0x1c: {  	[sflag:s11] =	ssyncset.done $0x0;
	(pc) =	sbr.rel @!p0 .LBB2_2-.Ltmp0, $4  }
0x1d: {  	s12 =	sadd.s32 $0xC00, s12;
	[sflag:s11] =	ssyncadd.s32 $0xFFFFE000  }
0x1e: {  	[hbm4b:s12+s3] =	stream.linear.scatter [tilespmem:s6], [sflag:$0x2], $0x2000, $0x38;
	[tilespmem:$0x2080] =	vst v63  }
0x1f: {  	_ =	swait.ge [sflag:s4], $0x2000  }
0x20: {  	s13 =	sadd.s32 $0xFFFFFFFF, s13;
	[sflag:s4] =	ssyncset.done $0x0  }
.LBB2_1:
0x21: {  	p0 =	sne.s32 s13, $0x1;
	s13 =	sadd.s32 $0xFFFFFFFF, s13;
	[sflag:s4] =	ssyncadd.s32 $0xFFFFE000  }
0x22: {  	[tilespmem:s3], [sflag:$0x2] =	stream.linear.gather [hbm4b:s5+s3], $0x10, $0x38;
	[tilespmem:$0x2080] =	vst v63  }
0x23: {  	_ =	swait.ge [sflag:s4], $0x10  }
0x24: {  	[sflag:s4] =	ssyncset.done $0x0  }
0x25: {  	[sflag:s4] =	ssyncadd.s32 $0xFFFFFFF0  }
0x26: {  	v3 =	vld [tilespmem:$0x0];
	_ =	sdelay $0x4  }
0x27: {  	v4 =	vshll.u32 v3, $0x2  }
0x28: {  	v3 =	vand.u32 $0x7, v3;
	v4 =	vand.u32 $0xFFFFFFE0, v4  }
0x29: {  	v3 =	vor.u32 v3, v4  }
0x2a: {  	v4 =	vperm.xlane v3, v0;
	v3 =	vperm.xlane v3, v2;
	_ =	sdelay $0x1  }
0x2b: {  	v4 =	vadd.s32 v1, v4;
	_ =	sdelay $0x3  }
0x2c: {  	v3 =	vadd.s32 v1, v3  }
0x2d: {  	[tilespmem:s6], [sflag:$0x1] =	stream.indirect_vreg.gather [hbm4b:s2+s3], $0x80, v4, vm0, $0xb8;
	[tilespmem:$0x2080] =	vst v63  }
0x2e: {  	_ = 	snop  }
0x2f: {  	[tilespmem:s8], [sflag:$0x1] =	stream.indirect_vreg.gather [hbm4b:s7+s3], $0x80, v4, vm0, $0xb8;
	[tilespmem:$0x2080] =	vst v63  }
0x30: {  	_ = 	snop  }
0x31: {  	[tilespmem:s9], [sflag:$0x1] =	stream.indirect_vreg.gather [hbm4b:s2+s3], $0x80, v3, vm0, $0xb8;
	[tilespmem:$0x2080] =	vst v63  }
0x32: {  	_ = 	snop  }
0x33: {  	[tilespmem:s10], [sflag:$0x1] =	stream.indirect_vreg.gather [hbm4b:s7+s3], $0x80, v3, vm0, $0xb8;
	[tilespmem:$0x2080] =	vst v63  }
0x34: {  	_ =	swait.ge [sflag:s11], $0x2000  }
.Ltmp1:
0x35: {  	[sflag:s11] =	ssyncset.done $0x0;
	(pc) =	sbr.rel @p0 .LBB2_1-.Ltmp1, $4  }
0x36: {  	[sflag:s11] =	ssyncadd.s32 $0xFFFFE000  }
0x37: {  	[hbm4b:s12+s3] =	stream.linear.scatter [tilespmem:s6], [sflag:$0x2], $0x2000, $0x38;
	[tilespmem:$0x2080] =	vst v63  }
0x38: {  	_ =	swait.ge [sflag:s4], $0x2000  }
0x39: {  	[sflag:s4] =	ssyncset.done $0x0  }
.LBB2_2:
0x3a: {  	[sflag:s4] =	ssyncadd.s32 $0xFFFFE000  }
0x3b: {  	_ =	sfence.sel $0x180000  }
0x3c: {  	[bflag:$0x0] =	sbarrier.arrive $0xFFFF  }
0x3d: {  	p0 =	sne.s32 s0, $0x0;
	_ =	strace $0x90000047  }
0x3e: {  	s0 =	sadd.s32 @!p0 $0x100000, s1;
	[bflag:$0x2] =	sbarrier.arrive $0xFFFF  }
0x3f: {  	[sflag:s0] =	ssyncadd.tile.s32 @!p0 $0x1;
	_ =	shalt  }
.Lfunc_end2:
_tile_overlayer_lowered:
.L_overlay_start_2:
0x40: {  	(tag) =	ssettag $0x2  }
0x41: {  	s0 =	rddreg [dreg:$0x0];
	s2 =	stileid.u32  }
0x42: {  	s1 =	rddreg [dreg:$0x1];
	p0 =	sne.s32 s2, $0x0  }
0x43: {  	s3 =	rddreg [dreg:$0x2];
	[bflag:$0x3] =	sbarrier.arrive $0xFFFF;
	s2 =	simm.s32 @!p0 $0x1C02  }
0x44: {  	[timem:s3], [sflag:s2] =	dma.local @!p0 [hbm:s0], s1  }
0x45: {  	s0 =	simm.s32 @!p0 $0x2  }
0x46: {  	_ =	swait.ge @!p0 [sflag:s0], s1  }
0x47: {  	s1 =	ssub.s32 @!p0 $0x0, s1;
	[sflag:s0] =	ssyncset.done @!p0 $0x0  }
0x48: {  	[sflag:s0] =	ssyncadd.s32 @!p0 s1  }
0x49: {  	[bflag:$0x3] =	sbarrier.arrive $0xFFFF  }
0x4a: {  	_ =	shalt  }

</sc_bundles>
